<compile_context>
chip_gen: v7x
topology: tpu7x:2x2x1
jax: 0.10.2.dev20260603
libtpu: 0.0.44.dev20260713+nightly
codegen_flags: <defaults>
</compile_context>

<pallas_src>
import functools

import jax
import jax.numpy as jnp
from jax import lax
from jax.experimental import pallas as pl
from jax.experimental.pallas import tpu as pltpu
from jax.experimental.pallas import tpu_sc as plsc


def _sc_gather(table, idx):
    info = plsc.get_sparse_core_info()
    nc, ns = info.num_cores, info.num_subcores
    nw = nc * ns
    B = idx.shape[0]
    D = table.shape[1]
    b_per_w = B // nw
    ch = 200
    n_it = b_per_w // (2 * ch)
    mesh = plsc.VectorSubcoreMesh(core_axis_name="c", subcore_axis_name="s")

    @functools.partial(
        pl.kernel,
        mesh=mesh,
        out_type=jax.ShapeDtypeStruct((B, D), jnp.float32),
        scratch_types=[
            pltpu.VMEM((b_per_w,), jnp.int32),
            pltpu.VMEM((ch, D), jnp.float32),
            pltpu.VMEM((ch, D), jnp.float32),
            pltpu.SemaphoreType.DMA,
            pltpu.SemaphoreType.DMA,
        ],
    )
    def k(table_hbm, idx_hbm, out_hbm, idx_v, r0, r1, sem0, sem1):
        wid = lax.axis_index("s") * nc + lax.axis_index("c")
        wbase = wid * b_per_w
        pltpu.sync_copy(idx_hbm.at[pl.ds(wbase, b_per_w)], idx_v)

        def it(t, carry):
            o0 = 2 * t * ch
            o1 = o0 + ch
            c0 = pltpu.async_copy(
                table_hbm.at[idx_v.at[pl.ds(o0, ch)]], r0, sem0)
            c1 = pltpu.async_copy(
                table_hbm.at[idx_v.at[pl.ds(o1, ch)]], r1, sem1)
            c0.wait()
            pltpu.sync_copy(r0, out_hbm.at[pl.ds(wbase + o0, ch)])
            c1.wait()
            pltpu.sync_copy(r1, out_hbm.at[pl.ds(wbase + o1, ch)])
            return carry

        lax.fori_loop(0, n_it, it, 0)

    return k(table, idx)


def kernel(x, edge_index, set_indices, batch, ir_score, W_l, b_l, W_r,
           W1, b1, W2, b2, num_graphs):
    N, D = x.shape
    E = edge_index.shape[1]
    G = set_indices.shape[0]
    GS = W_l.shape[0]
    H1 = W1.shape[0]
    NB = W2.shape[0]
    P = 2 * G

    src = edge_index[0]
    dst = edge_index[1]

    xsrc = _sc_gather(x, src)

    EC = 6400
    nblk = E // EC
    dst3 = dst.reshape(nblk, 1, EC)

    setf = jnp.broadcast_to(
        set_indices.T.reshape(P, 1).astype(jnp.int32), (P, 128))

    NPAD = 10240
    batch2 = jnp.concatenate(
        [batch.astype(jnp.int32),
         jnp.full((NPAD - N,), 2 ** 20, jnp.int32)]).reshape(NPAD // 128, 128)
    n_brow = NPAD // 128

    w1a = jnp.zeros((256, GS), jnp.float32).at[:H1].set(W1[:, :GS])
    w1b = jnp.zeros((256, GS), jnp.float32).at[:H1].set(W1[:, GS:])
    b1p = jnp.broadcast_to(
        jnp.zeros((256,), jnp.float32).at[:H1].set(b1)[None, :], (8, 256))
    w2p = jnp.zeros((128, 256), jnp.float32).at[:NB, :H1].set(W2)
    b2p = jnp.broadcast_to(
        jnp.zeros((128,), jnp.float32).at[:NB].set(b2)[None, :], (8, 128))
    blp = jnp.broadcast_to(b_l[None, :], (8, GS))

    xc = 2000
    n_xc = N // xc

    def body(dst_ref, xsrc_ref, batch_ref, setf_ref, x_ref, wl_ref, bl_ref,
             wr_ref, w1a_ref, w1b_ref, b1_ref, w2_ref, b2_ref, out_ref,
             ids_s, agg_s, deg_s):
        i = pl.program_id(0)

        @pl.when(i == 0)
        def _init():
            p = lax.broadcasted_iota(jnp.int32, (P, 1), 0)
            gid = p % G

            def bf(j, acc):
                row = batch_ref[pl.ds(j, 1), :]
                return acc + jnp.sum((row < gid).astype(jnp.int32),
                                     axis=1, keepdims=True)

            bases = lax.fori_loop(0, n_brow, bf,
                                  jnp.zeros((P, 1), jnp.int32))
            ids = jnp.clip(bases + setf_ref[:, 0:1], 0, N - 1)
            ids_s[...] = jnp.broadcast_to(ids, (P, 128))
            agg_s[...] = jnp.zeros((P, 128), jnp.float32)
            deg_s[...] = jnp.zeros((P, 128), jnp.float32)

        ids = ids_s[:, 0:1]
        m = (ids == dst_ref[0]).astype(jnp.float32)
        agg_s[...] += jnp.dot(m, xsrc_ref[...],
                              preferred_element_type=jnp.float32)
        deg_s[...] += jnp.broadcast_to(
            jnp.sum(m, axis=1, keepdims=True), (P, 128))

        @pl.when(i == nblk - 1)
        def _decode():
            dg = lambda a, b: lax.dot_general(
                a, b, (((1,), (1,)), ((), ())),
                preferred_element_type=jnp.float32)
            ids2 = ids_s[:, 0:1]
            deg = jnp.maximum(deg_s[:, 0:1], 1.0)
            mean = agg_s[...] / deg

            def xf(j, acc):
                base = j * xc
                rows = x_ref[pl.ds(base, xc), :]
                ridx = lax.broadcasted_iota(jnp.int32, (1, xc), 1) + base
                mm = (ids2 == ridx).astype(jnp.float32)
                return acc + jnp.dot(mm, rows,
                                     preferred_element_type=jnp.float32)

            x512 = lax.fori_loop(0, n_xc, xf,
                                 jnp.zeros((P, 128), jnp.float32))
            h = dg(mean, wl_ref[...]) + bl_ref[0:1, :] + dg(x512, wr_ref[...])
            h = jnp.maximum(h, 0.0)
            e0 = h[0:G, :]
            e1 = h[G:P, :]
            l1 = dg(e0, w1a_ref[...]) + dg(e1, w1b_ref[...]) + b1_ref[0:1, :]
            l1 = jnp.maximum(l1, 0.0)
            out_ref[...] = dg(l1, w2_ref[...]) + b2_ref[0:1, :]

    out = pl.pallas_call(
        body,
        grid=(nblk,),
        in_specs=[
            pl.BlockSpec((1, 1, EC), lambda i: (i, 0, 0)),
            pl.BlockSpec((EC, D), lambda i: (i, 0)),
            pl.BlockSpec((n_brow, 128), lambda i: (0, 0)),
            pl.BlockSpec((P, 128), lambda i: (0, 0)),
            pl.BlockSpec((N, D), lambda i: (0, 0)),
            pl.BlockSpec((GS, D), lambda i: (0, 0)),
            pl.BlockSpec((8, GS), lambda i: (0, 0)),
            pl.BlockSpec((GS, D), lambda i: (0, 0)),
            pl.BlockSpec((256, GS), lambda i: (0, 0)),
            pl.BlockSpec((256, GS), lambda i: (0, 0)),
            pl.BlockSpec((8, 256), lambda i: (0, 0)),
            pl.BlockSpec((128, 256), lambda i: (0, 0)),
            pl.BlockSpec((8, 128), lambda i: (0, 0)),
        ],
        out_specs=pl.BlockSpec((G, 128), lambda i: (0, 0)),
        out_shape=jax.ShapeDtypeStruct((G, 128), jnp.float32),
        scratch_shapes=[
            pltpu.VMEM((P, 128), jnp.int32),
            pltpu.VMEM((P, 128), jnp.float32),
            pltpu.VMEM((P, 128), jnp.float32),
        ],
    )(dst3, xsrc, batch2, setf, x, W_l, blp, W_r, w1a, w1b, b1p, w2p, b2p)

    return out[:, :NB]

# --- scband reference (transcript-rebuilt; emitter-appended) ---
"""Pipeline reference for scband-gtnn-outer-15625091022926 (READ-ONLY COPY).

The authoritative reference and input builder live on the scoring server;
editing this copy changes nothing except your own understanding.
"""

import jax, jax.numpy as jnp
import numpy as np

N = 10000
E = 320000
D = 128
GS = 128
G = 256
NB = 2
AF = 16

def setup_inputs(seed: int = 0) -> dict:
    key = jax.random.key(seed)
    ks = jax.random.split(key, 12)
    x = jax.random.normal(ks[0], (N, D), dtype=jnp.float32)
    edge_index = jax.random.randint(ks[1], (2, E), 0, N, dtype=jnp.int32)
    set_indices = jax.random.randint(ks[2], (G, 2), 0, 2, dtype=jnp.int32)
    batch = jnp.sort(jax.random.randint(ks[3], (N,), 0, G, dtype=jnp.int32))
    ir_score = jax.random.normal(ks[4], (G, AF), dtype=jnp.float32)
    W_l = jax.random.normal(ks[5], (GS, D), dtype=jnp.float32) / np.sqrt(D)
    b_l = jnp.zeros((GS,), dtype=jnp.float32)
    W_r = jax.random.normal(ks[6], (GS, D), dtype=jnp.float32) / np.sqrt(D)
    W1 = jax.random.normal(ks[7], (200, 2 * GS), dtype=jnp.float32) / np.sqrt(2 * GS)
    b1 = jnp.zeros((200,), dtype=jnp.float32)
    W2 = jax.random.normal(ks[8], (NB, 200), dtype=jnp.float32) / np.sqrt(200)
    b2 = jnp.zeros((NB,), dtype=jnp.float32)
    return {"x": x, "edge_index": edge_index, "set_indices": set_indices, "batch": batch,
            "ir_score": ir_score, "W_l": W_l, "b_l": b_l, "W_r": W_r,
            "W1": W1, "b1": b1, "W2": W2, "b2": b2, "num_graphs": G}

def reference(x, edge_index, set_indices, batch, ir_score, W_l, b_l, W_r, W1, b1, W2, b2, num_graphs):
    # SAGEConv (PyG-style, mean aggregation): out = lin_l(mean_j x_j) + lin_r(x_i)
    src = edge_index[0]
    dst = edge_index[1]
    msgs = jnp.take(x, src, axis=0)
    agg = jax.ops.segment_sum(msgs, dst, num_segments=x.shape[0])
    deg = jax.ops.segment_sum(jnp.ones((src.shape[0],), jnp.float32), dst, num_segments=x.shape[0])
    agg = agg / jnp.maximum(deg, 1.0)[:, None]
    h = agg @ W_l.T + b_l + x @ W_r.T
    h = jax.nn.relu(h)
    # get_minibatch_embeddings: per-graph node-count cumsum -> index bases
    g = set_indices.shape[0]
    counts = jnp.bincount(batch, length=g)
    counts = counts + jnp.zeros((), counts.dtype) * num_graphs
    index_bases = jnp.concatenate([jnp.zeros((1,), counts.dtype), jnp.cumsum(counts)[:-1]])
    idx = index_bases[:, None] + set_indices
    emb = jnp.take(h, idx, axis=0)  # [G, 2, GS]
    # fusion with use_additional_features=False: just flatten the pair (ir_score unused)
    z = emb.reshape(g, -1)  # [G, 2*GS]
    # decode
    l1 = jax.nn.relu(z @ W1.T + b1)
    logits = l1 @ W2.T + b2
    if logits.shape[1] == 1:
        logits = jnp.squeeze(logits, axis=1)
    return logits

if __name__ == "__main__":
    import jax
    _d = setup_inputs()
    print(jax.jit(kernel)(*tuple(_d.values())))

</pallas_src>

<mosaic_0001>
#map = affine_map<(d0, d1) -> (0, 0)>
#map1 = affine_map<(d0, d1) -> (0)>
module attributes {stable_mosaic.version = 14 : i64} {
  func.func @k(%arg0: i32, %arg1: i32, %arg2: memref<10000x128xf32, #tpu.memory_space<hbm>>, %arg3: memref<320000xi32, #tpu.memory_space<hbm>>, %arg4: memref<320000x128xf32, #tpu.memory_space<hbm>>, %arg5: memref<10000xi32, #tpu.memory_space<vmem>>, %arg6: memref<200x128xf32, #tpu.memory_space<vmem>>, %arg7: memref<200x128xf32, #tpu.memory_space<vmem>>, %arg8: memref<!tpu.dma_semaphore, #tpu.memory_space<semaphore_mem>>, %arg9: memref<!tpu.dma_semaphore, #tpu.memory_space<semaphore_mem>>) attributes {dimension_semantics = [#tpu.dimension_semantics<core_parallel>, #tpu.dimension_semantics<subcore_parallel>], iteration_bounds = array<i64: 2, 16>, scalar_prefetch = 0 : i64, scratch_operands = 5 : i64, tpu.core_type = #tpu.core_type<sc_vector_subcore>, window_params = [{transform_indices = #map}, {transform_indices = #map1}, {transform_indices = #map}]} {
    %mul3A = arith.constant 2 : i32
    %mul3A_0 = arith.muli %arg1, %mul3A : i32
    %add3A = arith.addi %mul3A_0, %arg0 : i32
    %mul3A_1 = arith.constant 10000 : i32
    %mul3A_2 = arith.muli %add3A, %mul3A_1 : i32
    "tpu.region"() ({
      %run_scoped3A = tpu.sem_alloc : memref<!tpu.dma_semaphore, #tpu.memory_space<semaphore_mem>>
      %dma_start3A = tpu.memref_slice %arg3[%mul3A_2] : memref<320000xi32, #tpu.memory_space<hbm>> -> memref<10000xi32, #tpu.memory_space<hbm>>
      %dma_start3A_8 = tpu.memref_slice %arg3[%mul3A_2] : memref<320000xi32, #tpu.memory_space<hbm>> -> memref<10000xi32, #tpu.memory_space<hbm>>
      tpu.enqueue_dma source(%dma_start3A_8 : memref<10000xi32, #tpu.memory_space<hbm>>) target(%arg5 : memref<10000xi32, #tpu.memory_space<vmem>>) target_semaphore(%run_scoped3A : memref<!tpu.dma_semaphore, #tpu.memory_space<semaphore_mem>>)
      %dma_wait3A = tpu.memref_slice %arg3[%mul3A_2] : memref<320000xi32, #tpu.memory_space<hbm>> -> memref<10000xi32, #tpu.memory_space<hbm>>
      %dma_wait3A_9 = tpu.memref_slice %arg3[%mul3A_2] : memref<320000xi32, #tpu.memory_space<hbm>> -> memref<10000xi32, #tpu.memory_space<hbm>>
      tpu.wait_dma2 semaphore(%run_scoped3A : memref<!tpu.dma_semaphore, #tpu.memory_space<semaphore_mem>>) src(%dma_wait3A_9 : memref<10000xi32, #tpu.memory_space<hbm>>) dst(%arg5 : memref<10000xi32, #tpu.memory_space<vmem>>)
      tpu.yield
    }) : () -> ()
    %scan3A = arith.constant 0 : i32
    %scan3A_3 = arith.constant 0 : i32
    %scan3A_4 = arith.constant 25 : i32
    %scan3A_5 = arith.addi %scan3A_3, %scan3A_4 : i32
    %scan3A_6 = arith.constant 1 : i32
    scf.for %scan3A_8 = %scan3A_3 to %scan3A_5 step %scan3A_6  : i32 {
      %mul3A_9 = arith.constant 2 : i32
      %mul3A_10 = arith.muli %mul3A_9, %scan3A_8 : i32
      %mul3A_11 = arith.constant 200 : i32
      %mul3A_12 = arith.muli %mul3A_10, %mul3A_11 : i32
      %add3A_13 = arith.constant 200 : i32
      %add3A_14 = arith.addi %mul3A_12, %add3A_13 : i32
      %dma_start3A = tpu.memref_slice %arg5[%mul3A_12] : memref<10000xi32, #tpu.memory_space<vmem>> -> memref<200xi32, #tpu.memory_space<vmem>>
      %dma_start3A_15 = arith.constant 0 : i32
      %dma_start3A_16 = arith.constant 0 : i32
      %dma_start3A_17 = tpu.memref_slice %arg2[%dma_start3A_15, %dma_start3A_16] : memref<10000x128xf32, #tpu.memory_space<hbm>> -> memref<10000x128xf32, #tpu.memory_space<hbm>>
      tpu.enqueue_indirect_dma source(%dma_start3A_17 : memref<10000x128xf32, #tpu.memory_space<hbm>>) target(%arg6 : memref<200x128xf32, #tpu.memory_space<vmem>>) offsets(%dma_start3A : memref<200xi32, #tpu.memory_space<vmem>>) semaphore(%arg8 : memref<!tpu.dma_semaphore, #tpu.memory_space<semaphore_mem>>)
      %dma_start3A_18 = tpu.memref_slice %arg5[%add3A_14] : memref<10000xi32, #tpu.memory_space<vmem>> -> memref<200xi32, #tpu.memory_space<vmem>>
      %dma_start3A_19 = arith.constant 0 : i32
      %dma_start3A_20 = arith.constant 0 : i32
      %dma_start3A_21 = tpu.memref_slice %arg2[%dma_start3A_19, %dma_start3A_20] : memref<10000x128xf32, #tpu.memory_space<hbm>> -> memref<10000x128xf32, #tpu.memory_space<hbm>>
      tpu.enqueue_indirect_dma source(%dma_start3A_21 : memref<10000x128xf32, #tpu.memory_space<hbm>>) target(%arg7 : memref<200x128xf32, #tpu.memory_space<vmem>>) offsets(%dma_start3A_18 : memref<200xi32, #tpu.memory_space<vmem>>) semaphore(%arg9 : memref<!tpu.dma_semaphore, #tpu.memory_space<semaphore_mem>>)
      %dma_wait3A = tpu.memref_slice %arg5[%mul3A_12] : memref<10000xi32, #tpu.memory_space<vmem>> -> memref<200xi32, #tpu.memory_space<vmem>>
      %dma_wait3A_22 = arith.constant 0 : i32
      %dma_wait3A_23 = arith.constant 0 : i32
      %dma_wait3A_24 = tpu.memref_slice %arg2[%dma_wait3A_22, %dma_wait3A_23] : memref<10000x128xf32, #tpu.memory_space<hbm>> -> memref<10000x128xf32, #tpu.memory_space<hbm>>
      tpu.wait_indirect_dma semaphore(%arg8 : memref<!tpu.dma_semaphore, #tpu.memory_space<semaphore_mem>>) src(%dma_wait3A_24 : memref<10000x128xf32, #tpu.memory_space<hbm>>) dst(%arg6 : memref<200x128xf32, #tpu.memory_space<vmem>>)
      %add3A_25 = arith.addi %mul3A_2, %mul3A_12 : i32
      "tpu.region"() ({
        %run_scoped3A = tpu.sem_alloc : memref<!tpu.dma_semaphore, #tpu.memory_space<semaphore_mem>>
        %dma_start3A_31 = arith.constant 0 : i32
        %dma_start3A_32 = tpu.memref_slice %arg4[%add3A_25, %dma_start3A_31] : memref<320000x128xf32, #tpu.memory_space<hbm>> -> memref<200x128xf32, #tpu.memory_space<hbm>>
        %dma_start3A_33 = arith.constant 0 : i32
        %dma_start3A_34 = tpu.memref_slice %arg4[%add3A_25, %dma_start3A_33] : memref<320000x128xf32, #tpu.memory_space<hbm>> -> memref<200x128xf32, #tpu.memory_space<hbm>>
        tpu.enqueue_dma source(%arg6 : memref<200x128xf32, #tpu.memory_space<vmem>>) target(%dma_start3A_34 : memref<200x128xf32, #tpu.memory_space<hbm>>) target_semaphore(%run_scoped3A : memref<!tpu.dma_semaphore, #tpu.memory_space<semaphore_mem>>)
        %dma_wait3A_35 = arith.constant 0 : i32
        %dma_wait3A_36 = tpu.memref_slice %arg4[%add3A_25, %dma_wait3A_35] : memref<320000x128xf32, #tpu.memory_space<hbm>> -> memref<200x128xf32, #tpu.memory_space<hbm>>
        %dma_wait3A_37 = arith.constant 0 : i32
        %dma_wait3A_38 = tpu.memref_slice %arg4[%add3A_25, %dma_wait3A_37] : memref<320000x128xf32, #tpu.memory_space<hbm>> -> memref<200x128xf32, #tpu.memory_space<hbm>>
        tpu.wait_dma2 semaphore(%run_scoped3A : memref<!tpu.dma_semaphore, #tpu.memory_space<semaphore_mem>>) src(%arg6 : memref<200x128xf32, #tpu.memory_space<vmem>>) dst(%dma_wait3A_38 : memref<200x128xf32, #tpu.memory_space<hbm>>)
        tpu.yield
      }) : () -> ()
      %dma_wait3A_26 = tpu.memref_slice %arg5[%add3A_14] : memref<10000xi32, #tpu.memory_space<vmem>> -> memref<200xi32, #tpu.memory_space<vmem>>
      %dma_wait3A_27 = arith.constant 0 : i32
      %dma_wait3A_28 = arith.constant 0 : i32
      %dma_wait3A_29 = tpu.memref_slice %arg2[%dma_wait3A_27, %dma_wait3A_28] : memref<10000x128xf32, #tpu.memory_space<hbm>> -> memref<10000x128xf32, #tpu.memory_space<hbm>>
      tpu.wait_indirect_dma semaphore(%arg9 : memref<!tpu.dma_semaphore, #tpu.memory_space<semaphore_mem>>) src(%dma_wait3A_29 : memref<10000x128xf32, #tpu.memory_space<hbm>>) dst(%arg7 : memref<200x128xf32, #tpu.memory_space<vmem>>)
      %add3A_30 = arith.addi %mul3A_2, %add3A_14 : i32
      "tpu.region"() ({
        %run_scoped3A = tpu.sem_alloc : memref<!tpu.dma_semaphore, #tpu.memory_space<semaphore_mem>>
        %dma_start3A_31 = arith.constant 0 : i32
        %dma_start3A_32 = tpu.memref_slice %arg4[%add3A_30, %dma_start3A_31] : memref<320000x128xf32, #tpu.memory_space<hbm>> -> memref<200x128xf32, #tpu.memory_space<hbm>>
        %dma_start3A_33 = arith.constant 0 : i32
        %dma_start3A_34 = tpu.memref_slice %arg4[%add3A_30, %dma_start3A_33] : memref<320000x128xf32, #tpu.memory_space<hbm>> -> memref<200x128xf32, #tpu.memory_space<hbm>>
        tpu.enqueue_dma source(%arg7 : memref<200x128xf32, #tpu.memory_space<vmem>>) target(%dma_start3A_34 : memref<200x128xf32, #tpu.memory_space<hbm>>) target_semaphore(%run_scoped3A : memref<!tpu.dma_semaphore, #tpu.memory_space<semaphore_mem>>)
        %dma_wait3A_35 = arith.constant 0 : i32
        %dma_wait3A_36 = tpu.memref_slice %arg4[%add3A_30, %dma_wait3A_35] : memref<320000x128xf32, #tpu.memory_space<hbm>> -> memref<200x128xf32, #tpu.memory_space<hbm>>
        %dma_wait3A_37 = arith.constant 0 : i32
        %dma_wait3A_38 = tpu.memref_slice %arg4[%add3A_30, %dma_wait3A_37] : memref<320000x128xf32, #tpu.memory_space<hbm>> -> memref<200x128xf32, #tpu.memory_space<hbm>>
        tpu.wait_dma2 semaphore(%run_scoped3A : memref<!tpu.dma_semaphore, #tpu.memory_space<semaphore_mem>>) src(%arg7 : memref<200x128xf32, #tpu.memory_space<vmem>>) dst(%dma_wait3A_38 : memref<200x128xf32, #tpu.memory_space<hbm>>)
        tpu.yield
      }) : () -> ()
    }
    %scan3A_7 = arith.constant 25 : i32
    return
  }
}

module attributes {stable_mosaic.version = 14 : i64} {
  func.func @body(%arg0: i32, %arg1: memref<1x1x6400xi32, #tpu.memory_space<vmem>>, %arg2: memref<6400x128xf32, #tpu.memory_space<vmem>>, %arg3: memref<80x128xi32, #tpu.memory_space<vmem>>, %arg4: memref<512x128xi32, #tpu.memory_space<vmem>>, %arg5: memref<10000x128xf32, #tpu.memory_space<vmem>>, %arg6: memref<128x128xf32, #tpu.memory_space<vmem>>, %arg7: memref<8x128xf32, #tpu.memory_space<vmem>>, %arg8: memref<128x128xf32, #tpu.memory_space<vmem>>, %arg9: memref<256x128xf32, #tpu.memory_space<vmem>>, %arg10: memref<256x128xf32, #tpu.memory_space<vmem>>, %arg11: memref<8x256xf32, #tpu.memory_space<vmem>>, %arg12: memref<128x256xf32, #tpu.memory_space<vmem>>, %arg13: memref<8x128xf32, #tpu.memory_space<vmem>>, %arg14: memref<256x128xf32, #tpu.memory_space<vmem>>, %arg15: memref<512x128xi32, #tpu.memory_space<vmem>>, %arg16: memref<512x128xf32, #tpu.memory_space<vmem>>, %arg17: memref<512x128xf32, #tpu.memory_space<vmem>>) attributes {dimension_semantics = [#tpu.dimension_semantics<arbitrary>], iteration_bounds = array<i64: 50>, scalar_prefetch = 0 : i64, scratch_operands = 3 : i64, tpu.core_type = #tpu.core_type<tc>, window_params = [{transform_indices = @transform_0, window_bounds = array<i64: 1, 1, 6400>}, {transform_indices = @transform_1, window_bounds = array<i64: 6400, 128>}, {pipeline_mode = #tpu.pipeline_mode<synchronous>, transform_indices = @transform_2, window_bounds = array<i64: 80, 128>}, {pipeline_mode = #tpu.pipeline_mode<synchronous>, transform_indices = @transform_3, window_bounds = array<i64: 512, 128>}, {pipeline_mode = #tpu.pipeline_mode<synchronous>, transform_indices = @transform_4, window_bounds = array<i64: 10000, 128>}, {pipeline_mode = #tpu.pipeline_mode<synchronous>, transform_indices = @transform_5, window_bounds = array<i64: 128, 128>}, {pipeline_mode = #tpu.pipeline_mode<synchronous>, transform_indices = @transform_6, window_bounds = array<i64: 8, 128>}, {pipeline_mode = #tpu.pipeline_mode<synchronous>, transform_indices = @transform_7, window_bounds = array<i64: 128, 128>}, {pipeline_mode = #tpu.pipeline_mode<synchronous>, transform_indices = @transform_8, window_bounds = array<i64: 256, 128>}, {pipeline_mode = #tpu.pipeline_mode<synchronous>, transform_indices = @transform_9, window_bounds = array<i64: 256, 128>}, {pipeline_mode = #tpu.pipeline_mode<synchronous>, transform_indices = @transform_10, window_bounds = array<i64: 8, 256>}, {pipeline_mode = #tpu.pipeline_mode<synchronous>, transform_indices = @transform_11, window_bounds = array<i64: 128, 256>}, {pipeline_mode = #tpu.pipeline_mode<synchronous>, transform_indices = @transform_12, window_bounds = array<i64: 8, 128>}, {pipeline_mode = #tpu.pipeline_mode<synchronous>, transform_indices = @transform_13, window_bounds = array<i64: 256, 128>}]} {
    %eq3A = arith.constant 0 : i32
    %eq3A_0 = arith.cmpi eq, %arg0, %eq3A : i32
    %convert_element_type3A = arith.extui %eq3A_0 : i1 to i32
    %cond3A = arith.constant 0 : i32
    %cond3A_1 = arith.cmpi ne, %convert_element_type3A, %cond3A : i32
    scf.if %cond3A_1 {
      %iota3A = tpu.iota {dimensions = array<i32: 0>} : vector<512x1xi32>
      %jit3A = arith.constant 256 : i32
      %eq3A_38 = arith.constant 0 : i32
      %eq3A_39 = arith.cmpi eq, %jit3A, %eq3A_38 : i32
      %jit3A_40 = arith.constant 1 : i32
      %select_n3A = arith.select %eq3A_39, %jit3A_40, %jit3A : i32
      %rem3A = vector.broadcast %select_n3A : i32 to vector<512x1xi32>
      %rem3A_41 = arith.remsi %iota3A, %rem3A : vector<512x1xi32>
      %ne3A = arith.constant 0 : i32
      %ne3A_42 = vector.broadcast %ne3A : i32 to vector<512x1xi32>
      %ne3A_43 = arith.cmpi ne, %rem3A_41, %ne3A_42 : vector<512x1xi32>
      %lt3A = arith.constant 0 : i32
      %lt3A_44 = vector.broadcast %lt3A : i32 to vector<512x1xi32>
      %lt3A_45 = arith.cmpi slt, %rem3A_41, %lt3A_44 : vector<512x1xi32>
      %lt3A_46 = arith.constant 0 : i32
      %lt3A_47 = arith.cmpi slt, %select_n3A, %lt3A_46 : i32
      %ne3A_48 = vector.broadcast %lt3A_47 : i1 to vector<512x1xi1>
      %ne3A_49 = vector.broadcast %ne3A_48 : vector<512x1xi1> to vector<512x1xi1>
      %ne3A_50 = arith.xori %lt3A_45, %ne3A_49 : vector<512x1xi1>
      %and3A = arith.andi %ne3A_50, %ne3A_43 : vector<512x1xi1>
      %add3A_51 = vector.broadcast %select_n3A : i32 to vector<512x1xi32>
      %add3A_52 = arith.addi %rem3A_41, %add3A_51 : vector<512x1xi32>
      %select_n3A_53 = arith.select %and3A, %add3A_52, %rem3A_41 : vector<512x1xi1>, vector<512x1xi32>
      %broadcast_in_dim3A_54 = arith.constant 0 : i32
      %broadcast_in_dim3A_55 = vector.broadcast %broadcast_in_dim3A_54 : i32 to vector<512x1xi32>
      %scan3A = arith.constant 0 : i32
      %scan3A_56 = arith.constant 80 : i32
      %scan3A_57 = arith.addi %scan3A, %scan3A_56 : i32
      %scan3A_58 = arith.constant 1 : i32
      %scan3A_59 = scf.for %scan3A_84 = %scan3A to %scan3A_57 step %scan3A_58 iter_args(%scan3A_85 = %broadcast_in_dim3A_55) -> (vector<512x1xi32>)  : i32 {
        %get3A_86 = arith.index_cast %scan3A_84 : i32 to index
        %get3A_87 = arith.constant 0 : index
        %get3A_88 = vector.load %arg3[%get3A_86, %get3A_87] : memref<80x128xi32, #tpu.memory_space<vmem>>, vector<1x128xi32>
        %lt3A_89 = vector.broadcast %get3A_88 : vector<1x128xi32> to vector<512x128xi32>
        %lt3A_90 = vector.broadcast %select_n3A_53 : vector<512x1xi32> to vector<512x128xi32>
        %lt3A_91 = arith.cmpi slt, %lt3A_89, %lt3A_90 : vector<512x128xi32>
        %convert_element_type3A_92 = arith.extui %lt3A_91 : vector<512x128xi1> to vector<512x128xi32>
        %reduce_sum3A_93 = arith.constant dense<0> : vector<512xi32>
        %reduce_sum3A_94 = vector.multi_reduction <add>, %convert_element_type3A_92, %reduce_sum3A_93 [1] : vector<512x128xi32> to vector<512xi32>
        %broadcast_in_dim3A_95 = vector.shape_cast %reduce_sum3A_94 : vector<512xi32> to vector<512x1xi32>
        %add3A_96 = arith.addi %scan3A_85, %broadcast_in_dim3A_95 : vector<512x1xi32>
        scf.yield %add3A_96 : vector<512x1xi32>
      }
      %scan3A_60 = arith.constant 80 : i32
      %get3A_61 = arith.constant 0 : index
      %get3A_62 = arith.constant 0 : index
      %get3A_63 = vector.load %arg4[%get3A_61, %get3A_62] : memref<512x128xi32, #tpu.memory_space<vmem>>, vector<512x1xi32>
      %add3A_64 = arith.addi %scan3A_59, %get3A_63 : vector<512x1xi32>
      %jit3A_65 = arith.constant 0 : i32
      %jit3A_66 = arith.constant 9999 : i32
      %max3A = vector.broadcast %jit3A_65 : i32 to vector<512x1xi32>
      %max3A_67 = arith.maxsi %max3A, %add3A_64 : vector<512x1xi32>
      %min3A = vector.broadcast %jit3A_66 : i32 to vector<512x1xi32>
      %min3A_68 = arith.minsi %min3A, %max3A_67 : vector<512x1xi32>
      %broadcast_in_dim3A_69 = vector.shape_cast %min3A_68 : vector<512x1xi32> to vector<512x1xi32>
      %broadcast_in_dim3A_70 = vector.broadcast %broadcast_in_dim3A_69 : vector<512x1xi32> to vector<512x128xi32>
      %swap3A_71 = arith.constant 0 : index
      %swap3A_72 = arith.constant 0 : index
      %swap3A_73 = vector.load %arg15[%swap3A_71, %swap3A_72] : memref<512x128xi32, #tpu.memory_space<vmem>>, vector<512x128xi32>
      tpu.vector_store %arg15[%swap3A_71, %swap3A_72], %broadcast_in_dim3A_70 {strides = array<i32>} : memref<512x128xi32, #tpu.memory_space<vmem>>, vector<512x128xi32>,
      %broadcast_in_dim3A_74 = arith.constant 0.000000e+00 : f32
      %broadcast_in_dim3A_75 = vector.broadcast %broadcast_in_dim3A_74 : f32 to vector<512x128xf32>
      %swap3A_76 = arith.constant 0 : index
      %swap3A_77 = arith.constant 0 : index
      %swap3A_78 = vector.load %arg16[%swap3A_76, %swap3A_77] : memref<512x128xf32, #tpu.memory_space<vmem>>, vector<512x128xf32>
      tpu.vector_store %arg16[%swap3A_76, %swap3A_77], %broadcast_in_dim3A_75 {strides = array<i32>} : memref<512x128xf32, #tpu.memory_space<vmem>>, vector<512x128xf32>,
      %broadcast_in_dim3A_79 = arith.constant 0.000000e+00 : f32
      %broadcast_in_dim3A_80 = vector.broadcast %broadcast_in_dim3A_79 : f32 to vector<512x128xf32>
      %swap3A_81 = arith.constant 0 : index
      %swap3A_82 = arith.constant 0 : index
      %swap3A_83 = vector.load %arg17[%swap3A_81, %swap3A_82] : memref<512x128xf32, #tpu.memory_space<vmem>>, vector<512x128xf32>
      tpu.vector_store %arg17[%swap3A_81, %swap3A_82], %broadcast_in_dim3A_80 {strides = array<i32>} : memref<512x128xf32, #tpu.memory_space<vmem>>, vector<512x128xf32>,
    } else {
    }
    %get3A = arith.constant 0 : index
    %get3A_2 = arith.constant 0 : index
    %get3A_3 = vector.load %arg15[%get3A, %get3A_2] : memref<512x128xi32, #tpu.memory_space<vmem>>, vector<512x1xi32>
    %get3A_4 = arith.constant 0 : index
    %get3A_5 = arith.constant 0 : index
    %get3A_6 = arith.constant 0 : index
    %get3A_7 = vector.load %arg1[%get3A_4, %get3A_5, %get3A_6] : memref<1x1x6400xi32, #tpu.memory_space<vmem>>, vector<1x1x6400xi32>
    %get3A_8 = vector.shape_cast %get3A_7 : vector<1x1x6400xi32> to vector<1x6400xi32>
    %eq3A_9 = vector.broadcast %get3A_3 : vector<512x1xi32> to vector<512x6400xi32>
    %eq3A_10 = vector.broadcast %get3A_8 : vector<1x6400xi32> to vector<512x6400xi32>
    %eq3A_11 = arith.cmpi eq, %eq3A_9, %eq3A_10 : vector<512x6400xi32>
    %convert_element_type3A_12 = arith.extui %eq3A_11 : vector<512x6400xi1> to vector<512x6400xi32>
    %convert_element_type3A_13 = arith.sitofp %convert_element_type3A_12 : vector<512x6400xi32> to vector<512x6400xf32>
    %get3A_14 = arith.constant 0 : index
    %get3A_15 = arith.constant 0 : index
    %get3A_16 = vector.load %arg16[%get3A_14, %get3A_15] : memref<512x128xf32, #tpu.memory_space<vmem>>, vector<512x128xf32>
    %get3A_17 = arith.constant 0 : index
    %get3A_18 = arith.constant 0 : index
    %get3A_19 = vector.load %arg2[%get3A_17, %get3A_18] : memref<6400x128xf32, #tpu.memory_space<vmem>>, vector<6400x128xf32>
    %dot_general3A = arith.constant dense<0.000000e+00> : vector<512x128xf32>
    %dot_general3A_20 = tpu.matmul %convert_element_type3A_13, %get3A_19, %dot_general3A {dimension_numbers = #tpu.dot_dimension_numbers<[1], [0], [0], [1], [0, 0, 1, 1], [], []>, transpose_lhs_hint = false} : vector<512x6400xf32>, vector<6400x128xf32>, vector<512x128xf32> -> vector<512x128xf32>
    %add3A = arith.addf %get3A_16, %dot_general3A_20 : vector<512x128xf32>
    %swap3A = arith.constant 0 : index
    %swap3A_21 = arith.constant 0 : index
    %swap3A_22 = vector.load %arg16[%swap3A, %swap3A_21] : memref<512x128xf32, #tpu.memory_space<vmem>>, vector<512x128xf32>
    tpu.vector_store %arg16[%swap3A, %swap3A_21], %add3A {strides = array<i32>} : memref<512x128xf32, #tpu.memory_space<vmem>>, vector<512x128xf32>,
    %get3A_23 = arith.constant 0 : index
    %get3A_24 = arith.constant 0 : index
    %get3A_25 = vector.load %arg17[%get3A_23, %get3A_24] : memref<512x128xf32, #tpu.memory_space<vmem>>, vector<512x128xf32>
    %reduce_sum3A = arith.constant dense<0.000000e+00> : vector<512xf32>
    %reduce_sum3A_26 = vector.multi_reduction <add>, %convert_element_type3A_13, %reduce_sum3A [1] : vector<512x6400xf32> to vector<512xf32>
    %broadcast_in_dim3A = vector.shape_cast %reduce_sum3A_26 : vector<512xf32> to vector<512x1xf32>
    %broadcast_in_dim3A_27 = vector.shape_cast %broadcast_in_dim3A : vector<512x1xf32> to vector<512x1xf32>
    %broadcast_in_dim3A_28 = vector.broadcast %broadcast_in_dim3A_27 : vector<512x1xf32> to vector<512x128xf32>
    %add3A_29 = arith.addf %get3A_25, %broadcast_in_dim3A_28 : vector<512x128xf32>
    %swap3A_30 = arith.constant 0 : index
    %swap3A_31 = arith.constant 0 : index
    %swap3A_32 = vector.load %arg17[%swap3A_30, %swap3A_31] : memref<512x128xf32, #tpu.memory_space<vmem>>, vector<512x128xf32>
    tpu.vector_store %arg17[%swap3A_30, %swap3A_31], %add3A_29 {strides = array<i32>} : memref<512x128xf32, #tpu.memory_space<vmem>>, vector<512x128xf32>,
    %eq3A_33 = arith.constant 49 : i32
    %eq3A_34 = arith.cmpi eq, %arg0, %eq3A_33 : i32
    %convert_element_type3A_35 = arith.extui %eq3A_34 : i1 to i32
    %cond3A_36 = arith.constant 0 : i32
    %cond3A_37 = arith.cmpi ne, %convert_element_type3A_35, %cond3A_36 : i32
    scf.if %cond3A_37 {
      %get3A_38 = arith.constant 0 : index
      %get3A_39 = arith.constant 0 : index
      %get3A_40 = vector.load %arg15[%get3A_38, %get3A_39] : memref<512x128xi32, #tpu.memory_space<vmem>>, vector<512x1xi32>
      %get3A_41 = arith.constant 0 : index
      %get3A_42 = arith.constant 0 : index
      %get3A_43 = vector.load %arg17[%get3A_41, %get3A_42] : memref<512x128xf32, #tpu.memory_space<vmem>>, vector<512x1xf32>
      %max3A = arith.constant 1.000000e+00 : f32
      %max3A_44 = vector.broadcast %max3A : f32 to vector<512x1xf32>
      %max3A_45 = arith.maximumf %get3A_43, %max3A_44 : vector<512x1xf32>
      %get3A_46 = arith.constant 0 : index
      %get3A_47 = arith.constant 0 : index
      %get3A_48 = vector.load %arg16[%get3A_46, %get3A_47] : memref<512x128xf32, #tpu.memory_space<vmem>>, vector<512x128xf32>
      %div3A = vector.broadcast %max3A_45 : vector<512x1xf32> to vector<512x128xf32>
      %div3A_49 = arith.divf %get3A_48, %div3A : vector<512x128xf32>
      %broadcast_in_dim3A_50 = arith.constant 0.000000e+00 : f32
      %broadcast_in_dim3A_51 = vector.broadcast %broadcast_in_dim3A_50 : f32 to vector<512x128xf32>
      %scan3A = arith.constant 0 : i32
      %scan3A_52 = arith.constant 5 : i32
      %scan3A_53 = arith.addi %scan3A, %scan3A_52 : i32
      %scan3A_54 = arith.constant 1 : i32
      %scan3A_55 = scf.for %scan3A_109 = %scan3A to %scan3A_53 step %scan3A_54 iter_args(%scan3A_110 = %broadcast_in_dim3A_51) -> (vector<512x128xf32>)  : i32 {
        %mul3A = arith.constant 2000 : i32
        %mul3A_111 = arith.muli %scan3A_109, %mul3A : i32
        %get3A_112 = arith.index_cast %mul3A_111 : i32 to index
        %get3A_113 = arith.constant 0 : index
        %get3A_114 = vector.load %arg5[%get3A_112, %get3A_113] : memref<10000x128xf32, #tpu.memory_space<vmem>>, vector<2000x128xf32>
        %iota3A = tpu.iota {dimensions = array<i32: 1>} : vector<1x2000xi32>
        %add3A_115 = vector.broadcast %mul3A_111 : i32 to vector<1x2000xi32>
        %add3A_116 = arith.addi %iota3A, %add3A_115 : vector<1x2000xi32>
        %eq3A_117 = vector.broadcast %get3A_40 : vector<512x1xi32> to vector<512x2000xi32>
        %eq3A_118 = vector.broadcast %add3A_116 : vector<1x2000xi32> to vector<512x2000xi32>
        %eq3A_119 = arith.cmpi eq, %eq3A_117, %eq3A_118 : vector<512x2000xi32>
        %convert_element_type3A_120 = arith.extui %eq3A_119 : vector<512x2000xi1> to vector<512x2000xi32>
        %convert_element_type3A_121 = arith.sitofp %convert_element_type3A_120 : vector<512x2000xi32> to vector<512x2000xf32>
        %dot_general3A_122 = arith.constant dense<0.000000e+00> : vector<512x128xf32>
        %dot_general3A_123 = tpu.matmul %convert_element_type3A_121, %get3A_114, %dot_general3A_122 {dimension_numbers = #tpu.dot_dimension_numbers<[1], [0], [0], [1], [0, 0, 1, 1], [], []>, transpose_lhs_hint = false} : vector<512x2000xf32>, vector<2000x128xf32>, vector<512x128xf32> -> vector<512x128xf32>
        %add3A_124 = arith.addf %scan3A_110, %dot_general3A_123 : vector<512x128xf32>
        scf.yield %add3A_124 : vector<512x128xf32>
      }
      %scan3A_56 = arith.constant 5 : i32
      %get3A_57 = arith.constant 0 : index
      %get3A_58 = arith.constant 0 : index
      %get3A_59 = vector.load %arg6[%get3A_57, %get3A_58] : memref<128x128xf32, #tpu.memory_space<vmem>>, vector<128x128xf32>
      %dot_general3A_60 = arith.constant dense<0.000000e+00> : vector<512x128xf32>
      %dot_general3A_61 = tpu.matmul %div3A_49, %get3A_59, %dot_general3A_60 {dimension_numbers = #tpu.dot_dimension_numbers<[1], [1], [0], [0], [0, 0, 1, 0], [], []>, transpose_lhs_hint = false} : vector<512x128xf32>, vector<128x128xf32>, vector<512x128xf32> -> vector<512x128xf32>
      %get3A_62 = arith.constant 0 : index
      %get3A_63 = arith.constant 0 : index
      %get3A_64 = vector.load %arg7[%get3A_62, %get3A_63] : memref<8x128xf32, #tpu.memory_space<vmem>>, vector<1x128xf32>
      %add3A_65 = vector.broadcast %get3A_64 : vector<1x128xf32> to vector<512x128xf32>
      %add3A_66 = arith.addf %dot_general3A_61, %add3A_65 : vector<512x128xf32>
      %get3A_67 = arith.constant 0 : index
      %get3A_68 = arith.constant 0 : index
      %get3A_69 = vector.load %arg8[%get3A_67, %get3A_68] : memref<128x128xf32, #tpu.memory_space<vmem>>, vector<128x128xf32>
      %dot_general3A_70 = arith.constant dense<0.000000e+00> : vector<512x128xf32>
      %dot_general3A_71 = tpu.matmul %scan3A_55, %get3A_69, %dot_general3A_70 {dimension_numbers = #tpu.dot_dimension_numbers<[1], [1], [0], [0], [0, 0, 1, 0], [], []>, transpose_lhs_hint = false} : vector<512x128xf32>, vector<128x128xf32>, vector<512x128xf32> -> vector<512x128xf32>
      %add3A_72 = arith.addf %add3A_66, %dot_general3A_71 : vector<512x128xf32>
      %max3A_73 = arith.constant 0.000000e+00 : f32
      %max3A_74 = vector.broadcast %max3A_73 : f32 to vector<512x128xf32>
      %max3A_75 = arith.maximumf %add3A_72, %max3A_74 : vector<512x128xf32>
      %slice3A = vector.extract_strided_slice %max3A_75 {offsets = [0, 0], sizes = [256, 128], strides = [1, 1]} : vector<512x128xf32> to vector<256x128xf32>
      %slice3A_76 = vector.extract_strided_slice %max3A_75 {offsets = [256, 0], sizes = [256, 128], strides = [1, 1]} : vector<512x128xf32> to vector<256x128xf32>
      %get3A_77 = arith.constant 0 : index
      %get3A_78 = arith.constant 0 : index
      %get3A_79 = vector.load %arg9[%get3A_77, %get3A_78] : memref<256x128xf32, #tpu.memory_space<vmem>>, vector<256x128xf32>
      %dot_general3A_80 = arith.constant dense<0.000000e+00> : vector<256x256xf32>
      %dot_general3A_81 = tpu.matmul %slice3A, %get3A_79, %dot_general3A_80 {dimension_numbers = #tpu.dot_dimension_numbers<[1], [1], [0], [0], [0, 0, 1, 0], [], []>, transpose_lhs_hint = false} : vector<256x128xf32>, vector<256x128xf32>, vector<256x256xf32> -> vector<256x256xf32>
      %get3A_82 = arith.constant 0 : index
      %get3A_83 = arith.constant 0 : index
      %get3A_84 = vector.load %arg10[%get3A_82, %get3A_83] : memref<256x128xf32, #tpu.memory_space<vmem>>, vector<256x128xf32>
      %dot_general3A_85 = arith.constant dense<0.000000e+00> : vector<256x256xf32>
      %dot_general3A_86 = tpu.matmul %slice3A_76, %get3A_84, %dot_general3A_85 {dimension_numbers = #tpu.dot_dimension_numbers<[1], [1], [0], [0], [0, 0, 1, 0], [], []>, transpose_lhs_hint = false} : vector<256x128xf32>, vector<256x128xf32>, vector<256x256xf32> -> vector<256x256xf32>
      %add3A_87 = arith.addf %dot_general3A_81, %dot_general3A_86 : vector<256x256xf32>
      %get3A_88 = arith.constant 0 : index
      %get3A_89 = arith.constant 0 : index
      %get3A_90 = vector.load %arg11[%get3A_88, %get3A_89] : memref<8x256xf32, #tpu.memory_space<vmem>>, vector<1x256xf32>
      %add3A_91 = vector.broadcast %get3A_90 : vector<1x256xf32> to vector<256x256xf32>
      %add3A_92 = arith.addf %add3A_87, %add3A_91 : vector<256x256xf32>
      %max3A_93 = arith.constant 0.000000e+00 : f32
      %max3A_94 = vector.broadcast %max3A_93 : f32 to vector<256x256xf32>
      %max3A_95 = arith.maximumf %add3A_92, %max3A_94 : vector<256x256xf32>
      %get3A_96 = arith.constant 0 : index
      %get3A_97 = arith.constant 0 : index
      %get3A_98 = vector.load %arg12[%get3A_96, %get3A_97] : memref<128x256xf32, #tpu.memory_space<vmem>>, vector<128x256xf32>
      %dot_general3A_99 = arith.constant dense<0.000000e+00> : vector<256x128xf32>
      %dot_general3A_100 = tpu.matmul %max3A_95, %get3A_98, %dot_general3A_99 {dimension_numbers = #tpu.dot_dimension_numbers<[1], [1], [0], [0], [0, 0, 1, 0], [], []>, transpose_lhs_hint = false} : vector<256x256xf32>, vector<128x256xf32>, vector<256x128xf32> -> vector<256x128xf32>
      %get3A_101 = arith.constant 0 : index
      %get3A_102 = arith.constant 0 : index
      %get3A_103 = vector.load %arg13[%get3A_101, %get3A_102] : memref<8x128xf32, #tpu.memory_space<vmem>>, vector<1x128xf32>
      %add3A_104 = vector.broadcast %get3A_103 : vector<1x128xf32> to vector<256x128xf32>
      %add3A_105 = arith.addf %dot_general3A_100, %add3A_104 : vector<256x128xf32>
      %swap3A_106 = arith.constant 0 : index
      %swap3A_107 = arith.constant 0 : index
      %swap3A_108 = vector.load %arg14[%swap3A_106, %swap3A_107] : memref<256x128xf32, #tpu.memory_space<vmem>>, vector<256x128xf32>
      tpu.vector_store %arg14[%swap3A_106, %swap3A_107], %add3A_105 {strides = array<i32>} : memref<256x128xf32, #tpu.memory_space<vmem>>, vector<256x128xf32>,
    } else {
    }
    return
  }
  func.func @transform_0(%arg0: i32) -> (i32, i32, i32) {
    %c0_i32 = arith.constant 0 : i32
    %c0_i32_0 = arith.constant 0 : i32
    %c0_i32_1 = arith.constant 0 : i32
    return %arg0, %c0_i32, %c0_i32_0 : i32, i32, i32
  }
  func.func @transform_1(%arg0: i32) -> (i32, i32) {
    %c0_i32 = arith.constant 0 : i32
    %c0_i32_0 = arith.constant 0 : i32
    return %arg0, %c0_i32 : i32, i32
  }
  func.func @transform_2(%arg0: i32) -> (i32, i32) {
    %c0_i32 = arith.constant 0 : i32
    %c0_i32_0 = arith.constant 0 : i32
    %c0_i32_1 = arith.constant 0 : i32
    return %c0_i32, %c0_i32_0 : i32, i32
  }
  func.func @transform_3(%arg0: i32) -> (i32, i32) {
    %c0_i32 = arith.constant 0 : i32
    %c0_i32_0 = arith.constant 0 : i32
    %c0_i32_1 = arith.constant 0 : i32
    return %c0_i32, %c0_i32_0 : i32, i32
  }
  func.func @transform_4(%arg0: i32) -> (i32, i32) {
    %c0_i32 = arith.constant 0 : i32
    %c0_i32_0 = arith.constant 0 : i32
    %c0_i32_1 = arith.constant 0 : i32
    return %c0_i32, %c0_i32_0 : i32, i32
  }
  func.func @transform_5(%arg0: i32) -> (i32, i32) {
    %c0_i32 = arith.constant 0 : i32
    %c0_i32_0 = arith.constant 0 : i32
    %c0_i32_1 = arith.constant 0 : i32
    return %c0_i32, %c0_i32_0 : i32, i32
  }
  func.func @transform_6(%arg0: i32) -> (i32, i32) {
    %c0_i32 = arith.constant 0 : i32
    %c0_i32_0 = arith.constant 0 : i32
    %c0_i32_1 = arith.constant 0 : i32
    return %c0_i32, %c0_i32_0 : i32, i32
  }
  func.func @transform_7(%arg0: i32) -> (i32, i32) {
    %c0_i32 = arith.constant 0 : i32
    %c0_i32_0 = arith.constant 0 : i32
    %c0_i32_1 = arith.constant 0 : i32
    return %c0_i32, %c0_i32_0 : i32, i32
  }
  func.func @transform_8(%arg0: i32) -> (i32, i32) {
    %c0_i32 = arith.constant 0 : i32
    %c0_i32_0 = arith.constant 0 : i32
    %c0_i32_1 = arith.constant 0 : i32
    return %c0_i32, %c0_i32_0 : i32, i32
  }
  func.func @transform_9(%arg0: i32) -> (i32, i32) {
    %c0_i32 = arith.constant 0 : i32
    %c0_i32_0 = arith.constant 0 : i32
    %c0_i32_1 = arith.constant 0 : i32
    return %c0_i32, %c0_i32_0 : i32, i32
  }
  func.func @transform_10(%arg0: i32) -> (i32, i32) {
    %c0_i32 = arith.constant 0 : i32
    %c0_i32_0 = arith.constant 0 : i32
    %c0_i32_1 = arith.constant 0 : i32
    return %c0_i32, %c0_i32_0 : i32, i32
  }
  func.func @transform_11(%arg0: i32) -> (i32, i32) {
    %c0_i32 = arith.constant 0 : i32
    %c0_i32_0 = arith.constant 0 : i32
    %c0_i32_1 = arith.constant 0 : i32
    return %c0_i32, %c0_i32_0 : i32, i32
  }
  func.func @transform_12(%arg0: i32) -> (i32, i32) {
    %c0_i32 = arith.constant 0 : i32
    %c0_i32_0 = arith.constant 0 : i32
    %c0_i32_1 = arith.constant 0 : i32
    return %c0_i32, %c0_i32_0 : i32, i32
  }
  func.func @transform_13(%arg0: i32) -> (i32, i32) {
    %c0_i32 = arith.constant 0 : i32
    %c0_i32_0 = arith.constant 0 : i32
    %c0_i32_1 = arith.constant 0 : i32
    return %c0_i32, %c0_i32_0 : i32, i32
  }
}

</mosaic_0001>

<sc_bundles>
// kernel: kernel.4.cloned.1.call-start
scs
__scs_entry_jumppad:
0x0: {  	(pc) =	sbr.rel $0x88, $3  }
0x1: {  	(tag) =	ssettag $0x0;
	lr =	simm.s32 $0x1  }
0x2: {  	[smem:$0x3F96] =	sst lr;
	_ =	strace $0xD0000000  }
0x3: {  	_ = 	snop  }
0x4: {  	_ = 	snop  }
0x5: {  	_ = 	snop  }
0x6: {  	_ = 	snop  }
0x7: {  	_ = 	snop  }
__scs_overlays_trampoline_lowered:
0x8: {  	[smem:$0x3FA5] =	sst s0  }
0x9: {  	[smem:$0x3FA6] =	sst s1  }
0xa: {  	[smem:$0x3FA7] =	sst s2  }
0xb: {  	[smem:$0x3FA8] =	sst s3  }
0xc: {  	[smem:$0x3FA9] =	sst s4  }
0xd: {  	[smem:$0x3FAA] =	sst s5  }
0xe: {  	[smem:$0x3FAB] =	sst s6  }
0xf: {  	[smem:$0x3FAC] =	sst s7  }
0x10: {  	[smem:$0x3FAD] =	sst s8  }
0x11: {  	[smem:$0x3FAE] =	sst s9;
	s0 =	simm.s32 @!p0 $0x0  }
0x12: {  	s1 =	sld [smem:$0x3F94];
	s0 =	simm.s32 @p0 $0x1  }
0x13: {  	[smem:$0x3FAF] =	sst s0;
	s0 =	simm.s32 @!p1 $0x0  }
0x14: {  	s2 =	sld [smem:$0x3F93];
	s0 =	simm.s32 @p1 $0x1  }
0x15: {  	[smem:$0x3FB0] =	sst s0;
	s0 =	simm.s32 @!p2 $0x0  }
0x16: {  	s3 =	sld [smem:$0x3FDB];
	s0 =	simm.s32 @p2 $0x1  }
0x17: {  	s4 =	simm.s32 $0x1BF5;
	[smem:$0x3FB2] =	sst s0  }
0x18: {  	s0 =	sld [smem:$0x3F95];
	_ =	swait.ge [sflag:s4], $0x0  }
0x19: {  	s7 =	sld [smem:$0x3F96]  }
0x1a: {  	s8 =	sadd.s32 $0xFFFFE003, lr  }
0x1b: {  	s9 =	sadd.s32 $0xFFFFFEF7, lr;
	s5 =	simm.s32 $0xFFFFFFFF;
	p2 =	slt.u32 s8, $0xFFFFF086  }
0x1c: {  	p1 =	slt.u32 s9, $0xF7A;
	s5 =	simm.s32 @!p2 $0x0  }
0x1d: {  	s5 =	simm.s32 @p1 $0x1;
	p0 =	seq.s32 s7, s2  }
0x1e: {  	s7 =	smul.u32 @!p0 $0xF7A, s2;
	p2 =	seq.s32 @!p0 s5, $0x0  }
0x1f: {  	s9 =	smul.u32 $0xF7A, s1;
	s8 =	simm.s32 @!p0 $0x1BF5;
	p2 =	por !p2, p0  }
0x20: {  	[sflag:s8] =	ssyncset.s32 @!p0 $0xFFFFF086;
	s6 =	sadd.s32 @!p0 s3, s7;
	s7 =	simm.s32 @!p0 $0x108  }
0x21: {  	s3 =	sadd.s32 s3, s9;
	s6 =	sadd.s32 @!p0 $0x88, s6;
	s7 =	simm.s32 @p2 $0x1082  }
0x22: {  	[simem:s7], [sflag:s8] =	dma.local @!p0 [hbm:s6], $0xF7A  }
0x23: {  	s9 =	sor.u32 $0xD0000000, s2;
	s6 =	simm.s32 $0x108;
	_ =	swait.ge @!p0 [sflag:s8], $0x0  }
0x24: {  	s3 =	sadd.s32 $0x88, s3;
	s6 =	simm.s32 @!p1 $0x1082;
	[sflag:s4] =	ssyncset.s32 $0xFFFFF086  }
0x25: {  	[simem:s6], [sflag:s4] =	dma.local [hbm:s3], $0xF7A  }
0x26: {  	[smem:$0x3F96] =	sst s1;
	(tag) =	ssettag s2;
	_ =	strace s9  }
0x27: {  	s1 =	sld [smem:$0x3FA6]  }
0x28: {  	s2 =	sld [smem:$0x3FA7]  }
0x29: {  	s4 =	sld [smem:$0x3FA9]  }
0x2a: {  	p0 =	seq.s32 s5, $0x0;
	s5 =	sld [smem:$0x3FAA]  }
0x2b: {  	s6 =	sld [smem:$0x3FAB]  }
0x2c: {  	s7 =	sld [smem:$0x3FAC]  }
0x2d: {  	s3 =	simm.s32 $0x108;
	s8 =	sld [smem:$0x3FAD]  }
0x2e: {  	s3 =	simm.s32 @!p0 $0x1082;
	s9 =	sld [smem:$0x3FAE]  }
0x2f: {  	lr =	sadd.s32 s0, s3;
	s0 =	sld [smem:$0x3FA5]  }
0x30: {  	s3 =	sld [smem:$0x3FA8]  }
0x31: {  	[smem:$0x3FB1] =	sst s10  }
0x32: {  	s10 =	sld [smem:$0x3FAF];
	_ =	sdelay $0x3  }
0x33: {  	p0 =	seq.s32 s10, $0x1;
	s10 =	sld [smem:$0x3FB1];
	_ =	sdelay $0x3  }
0x34: {  	[smem:$0x3FB1] =	sst s10  }
0x35: {  	s10 =	sld [smem:$0x3FB0];
	_ =	sdelay $0x3  }
0x36: {  	p1 =	seq.s32 s10, $0x1;
	s10 =	sld [smem:$0x3FB1];
	_ =	sdelay $0x3  }
0x37: {  	[smem:$0x3FB1] =	sst s10  }
0x38: {  	s10 =	sld [smem:$0x3FB2]  }
0x39: {  	_ = 	snop;
	(pc) =	sbr.ind lr, $3  }
0x3a: {  	_ = 	snop  }
0x3b: {  	_ = 	snop  }
0x3c: {  	p2 =	seq.s32 s10, $0x1;
	s10 =	sld [smem:$0x3FB1]  }
0x3d: {  	_ =	shalt  }
0x3e: {  	_ =	shalt  }
0x3f: {  	_ =	shalt  }
0x40: {  	_ =	shalt  }
0x41: {  	_ =	shalt  }
0x42: {  	_ =	shalt  }
0x43: {  	_ =	shalt  }
0x44: {  	_ =	shalt  }
0x45: {  	_ =	shalt  }
0x46: {  	_ =	shalt  }
0x47: {  	_ =	shalt  }
0x48: {  	_ =	shalt  }
0x49: {  	_ =	shalt  }
0x4a: {  	_ =	shalt  }
0x4b: {  	_ =	shalt  }
0x4c: {  	_ =	shalt  }
0x4d: {  	_ =	shalt  }
0x4e: {  	_ =	shalt  }
0x4f: {  	_ =	shalt  }
0x50: {  	_ =	shalt  }
0x51: {  	_ =	shalt  }
0x52: {  	_ =	shalt  }
0x53: {  	_ =	shalt  }
0x54: {  	_ =	shalt  }
0x55: {  	_ =	shalt  }
0x56: {  	_ =	shalt  }
0x57: {  	_ =	shalt  }
0x58: {  	_ =	shalt  }
0x59: {  	_ =	shalt  }
0x5a: {  	_ =	shalt  }
0x5b: {  	_ =	shalt  }
0x5c: {  	_ =	shalt  }
0x5d: {  	_ =	shalt  }
0x5e: {  	_ =	shalt  }
0x5f: {  	_ =	shalt  }
0x60: {  	_ =	shalt  }
0x61: {  	_ =	shalt  }
0x62: {  	_ =	shalt  }
0x63: {  	_ =	shalt  }
0x64: {  	_ =	shalt  }
0x65: {  	_ =	shalt  }
0x66: {  	_ =	shalt  }
0x67: {  	_ =	shalt  }
0x68: {  	_ =	shalt  }
0x69: {  	_ =	shalt  }
0x6a: {  	_ =	shalt  }
0x6b: {  	_ =	shalt  }
0x6c: {  	_ =	shalt  }
0x6d: {  	_ =	shalt  }
0x6e: {  	_ =	shalt  }
0x6f: {  	_ =	shalt  }
0x70: {  	_ =	shalt  }
0x71: {  	_ =	shalt  }
0x72: {  	_ =	shalt  }
0x73: {  	_ =	shalt  }
0x74: {  	_ =	shalt  }
0x75: {  	_ =	shalt  }
0x76: {  	_ =	shalt  }
0x77: {  	_ =	shalt  }
0x78: {  	_ =	shalt  }
0x79: {  	_ =	shalt  }
0x7a: {  	_ =	shalt  }
0x7b: {  	_ =	shalt  }
0x7c: {  	_ =	shalt  }
0x7d: {  	_ =	shalt  }
0x7e: {  	_ =	shalt  }
0x7f: {  	_ =	shalt  }
0x80: {  	_ =	shalt  }
0x81: {  	_ =	shalt  }
0x82: {  	_ =	shalt  }
0x83: {  	_ =	shalt  }
0x84: {  	_ =	shalt  }
0x85: {  	_ =	shalt  }
0x86: {  	_ =	shalt  }
0x87: {  	_ =	shalt  }
.Lfunc_end0:
.L_simem_size_0:
called_computation_lowered:
.L_overlay_start_0:
0x88: {  	s2 =	sld [smem:$0x3FD9]  }
0x89: {  	s3 =	sld [smem:$0x3FFE];
	_ =	sdelay $0x1  }
0x8a: {  	s1 =	srdreg.scid  }
0x8b: {  	s0 =	sand.u32 $0x1, s1  }
0x8c: {  	s17 =	sshll.u32 s0, $0xA;
	s2 =	sadd.s32 s3, s2  }
0x8d: {  	s2 =	sadd.s32 s2, s17  }
0x8e: {  	[smem:$0x3FBD] =	sst s2  }
0x8f: {  	_ = 	snop  }
0x90: {  	s2 =	sld [smem:$0x3FC9];
	(tm) =	ssettm $0x1  }
0x91: {  	s18 =	sld [smem:$0x3FFB];
	_ =	sdelay $0x3  }
0x92: {  	_ =	strace s18  }
0x93: {  	s3 =	sld [smem:$0x3FFC];
	_ =	sdelay $0x3  }
0x94: {  	_ =	strace s3  }
0x95: {  	s3 =	sld [smem:$0x3FFD];
	_ =	sdelay $0x3  }
0x96: {  	_ =	strace s3  }
0x97: {  	_ =	strace $0x8FFFFFFF  }
0x98: {  	s19 =	sld [smem:$0x3FDB];
	_ =	sdelay $0x1  }
0x99: {  	s4 =	simm.s32 $_scs_section_size  }
0x9a: {  	s5 =	simm.s32 $_size__tile_overlayer_lowered;
	s6 =	simm.s32 $_tile_overlayer_lowered  }
0x9b: {  	s22 =	simm.s32 $0x1BFF;
	s21 =	sshll.u32 s6, $0x1;
	s3 =	sadd.s32 s4, s19  }
0x9c: {  	s7 =	simm.s32 $0x0;
	s20 =	sshll.u32 s5, $0x1;
	s5 =	sadd.s32 s21, s3  }
0x9d: {  	[timem:s7], [sflag:s22] =	dma.local [hbm:s5], s20  }
0x9e: {  	_ =	swait.ge [sflag:s22], s20  }
0x9f: {  	s4 =	ssub.s32 $0x0, s20;
	[sflag:s22] =	ssyncset.done $0x0  }
0xa0: {  	[sflag:s22] =	ssyncadd.s32 s4;
	_ =	sdelay $0x1  }
0xa1: {  	s23 =	simm.s32 $0x1B8B  }
0xa2: {  	_ =	swait.ge [sflag:s23], $0x1  }
0xa3: {  	[sflag:s23] =	ssyncset.done $0x0  }
0xa4: {  	s25 =	simm.s32 $0x1B8E;
	s24 =	sld [smem:$0x3FFE];
	[sflag:s23] =	ssyncadd.s32 $0xFFFFFFFF  }
0xa5: {  	s26 =	simm.s32 $execute0_lowered;
	[smem:$0x3FD2] =	sst s25  }
0xa6: {  	s5 =	sshll.u32 s26, $0x1;
	_ =	strace $0x80000046;
	[dreg:$0x1] =	wrdreg $0xFFFFFFFF  }
0xa7: {  	s28 =	simm.s32 $_size_execute0_lowered;
	s3 =	sadd.s32 s3, s5;
	[dreg:$0x0] =	wrdreg $0x0  }
0xa8: {  	s5 =	sshll.u32 s28, $0x1;
	[dreg:$0x2] =	wrdreg s3  }
0xa9: {  	[dreg:$0x3] =	wrdreg s5  }
0xaa: {  	[dreg:$0x4] =	wrdreg $0xC0  }
0xab: {  	_ =	task [dreg:s7], $0x5FFFF  }
0xac: {  	[dreg:$0x1] =	wrdreg $0xFFFFFFFF  }
0xad: {  	[dreg:$0x0] =	wrdreg $0x60  }
0xae: {  	[dreg:$0x2] =	wrdreg s2  }
0xaf: {  	[dreg:$0x3] =	wrdreg s24  }
0xb0: {  	[dreg:$0x4] =	wrdreg $0x9  }
0xb1: {  	_ =	task.clear_ibuf [dreg:s7], $0x5FFFF;
	_ =	strace $0x90000046  }
0xb2: {  	s29 =	simm.s32 $0x9;
	_ =	strace $0x80000048  }
0xb3: {  	_ =	swait.ge [sflag:s29], $0x1  }
0xb4: {  	[sflag:s29] =	ssyncadd.s32 $0xFFFFFFFF  }
0xb5: {  	_ =	strace $0x90000048  }
0xb6: {  	_ =	sfence  }
0xb7: {  	s30 =	sld [smem:$0x0];
	_ =	sdelay $0x2  }
0xb8: {  	s31 =	sshll.u32 s1, $0xD;
	s1 =	sshrl.u32 s1, $0x2  }
0xb9: {  	s3 =	sand.u32 $0x4000, s31;
	s1 =	sadd.s32 s1, s30  }
0xba: {  	s0 =	sor.u32 s3, s0;
	s1 =	sshll.u32 s1, $0x11  }
0xbb: {  	s0 =	sor.u32 s1, s0  }
0xbc: {  	s0 =	sadd.s32 $0x8F2B, s0  }
0xbd: {  	[sflag:s0] =	ssyncadd.remote.s32 $0x1  }
0xbe: {  	_ =	sfence.sel $0xFFFF  }
0xbf: {  	[dreg:$0x0] =	wrdreg $0xFFFFFFFF;
	(pc) =	sbr.abs _section_cstart, $3  }
0xc0: {  	[dreg:$0x1] =	wrdreg $0xFFFFFFFF  }
0xc1: {  	_ =	task.clear_ibuf [dreg:s7], $0x2FFFF;
	_ =	strace $0x9FFFFFFF  }
0xc2: {  	(tm) =	ssettm $0x7FFFFFFF  }
0xc3: {  	_ =	shalt  }
tec
execute0_lowered:
.L_overlay_start_1:
0x0: {  	(tag) =	ssettag $0x1  }
0x1: {  	s2 =	rddreg [dreg:$0x0];
	s1 =	srdreg.scid  }
0x2: {  	s0 =	stileid.u32;
	s4 =	rddreg [dreg:$0x1]  }
0x3: {  	s3 =	simm.s32 $0x0;
	s9 =	simm.s32 $0x2780;
	s10 =	simm.s32 $0x8B80  }
0x4: {  	s11 =	simm.s32 $0x1;
	s12 =	simm.s32 $0x2;
	s5 =	sand.u32 $0x1, s1  }
0x5: {  	s6 =	sshll.u32 s0, $0x1;
	s1 =	rddreg [dreg:$0x2];
	s7 =	smul.u32 $0x4E200, s0  }
0x6: {  	s6 =	sor.u32 s5, s6;
	s8 =	ssub.s32 $0x2, s5;
	s5 =	smul.u32 $0x27100, s5  }
0x7: {  	s13 =	simm.s32 $0x0;
	[smem:$0x7FF] =	sst s3;
	s6 =	smul.u32 $0x2710, s6  }
0x8: {  	_ =	strace $0x80000047;
	s7 =	sadd.s32 s7, s4;
	s30 =	sshrl.u32 s8, $0x1  }
0x9: {  	s8 =	ssub.s32 s8, s30;
	s31 =	sadd.s32 s5, s7;
	s6 =	sshrl.u32 s6, $0x3  }
0xa: {  	s7 =	simm.s32 $0x3;
	s5 =	smax.u32 s8, $0x1;
	s6 =	sadd.s32 s6, s4  }
0xb: {  	s8 =	simm.s32 $0xC8;
	s4 =	sadd.s32 $0x1A00, s6;
	s6 =	sadd.s32 $0x15600, s31  }
.LBB2_1:
0xc: {  	[tilespmem:s3], [sflag:$0x3] =	stream.linear.gather [hbm4b:s4+s3], $0x2710, $0x38;
	[tilespmem:$0xEF80] =	vst v63  }
0xd: {  	_ =	swait.ge [sflag:s7], $0x2710  }
0xe: {  	[sflag:s7] =	ssyncset.done $0x0  }
0xf: {  	s14 =	simm.s32 $0x0;
	[sflag:s7] =	ssyncadd.s32 $0xFFFFD8F0  }
0x10: {  	[tilespmem:s9], [sflag:$0x1] =	stream.indirect.gather [hbm4b:s2+s8], $0x80, s14, s8, $0xb8;
	[tilespmem:$0xEF80] =	vst v63  }
0x11: {  	s30 =	simm.s32 $0xC8  }
0x12: {  	[tilespmem:s10], [sflag:$0x2] =	stream.indirect.gather [hbm4b:s2+s8], $0x80, s30, s8, $0xb8;
	[tilespmem:$0xEF80] =	vst v63  }
0x13: {  	_ =	swait.ge [sflag:s11], $0x6400  }
0x14: {  	[sflag:s11] =	ssyncset.done $0x0  }
0x15: {  	[sflag:s11] =	ssyncadd.s32 $0xFFFF9C00  }
0x16: {  	[hbm4b:s6+s3] =	stream.linear.scatter [tilespmem:s9], [sflag:$0x3], $0x6400, $0x38;
	[tilespmem:$0xEF80] =	vst v63  }
0x17: {  	_ =	swait.ge [sflag:s7], $0x6400  }
0x18: {  	[sflag:s7] =	ssyncset.done $0x0  }
0x19: {  	[sflag:s7] =	ssyncadd.s32 $0xFFFF9C00  }
0x1a: {  	_ =	swait.ge [sflag:s12], $0x6400  }
0x1b: {  	[sflag:s12] =	ssyncset.done $0x0  }
0x1c: {  	s31 =	sadd.s32 $0xC80, s6;
	[sflag:s12] =	ssyncadd.s32 $0xFFFF9C00  }
0x1d: {  	[hbm4b:s31+s3] =	stream.linear.scatter [tilespmem:s10], [sflag:$0x3], $0x6400, $0x38;
	[tilespmem:$0xEF80] =	vst v63  }
0x1e: {  	s15 =	simm.s32 $0x640;
	_ =	swait.ge [sflag:s7], $0x6400  }
0x1f: {  	s16 =	simm.s32 $0xC80;
	s14 =	sadd.s32 $0x1900, s6;
	[sflag:s7] =	ssyncset.done $0x0  }
.LBB2_2:
0x20: {  	s17 =	sshra.s32 s15, $0x2  }
0x21: {  	[sflag:s7] =	ssyncadd.s32 $0xFFFF9C00;
	s15 =	smov.u32 s16;
	s18 =	sadd.s32 $0x640, s16  }
0x22: {  	[tilespmem:s9], [sflag:$0x1] =	stream.indirect.gather [hbm4b:s2+s8], $0x80, s17, s8, $0xb8;
	[tilespmem:$0xEF80] =	vst v63  }
0x23: {  	p0 =	sne.s32 s16, $0x9600;
	s16 =	sadd.s32 $0xC8, s17  }
0x24: {  	[tilespmem:s10], [sflag:$0x2] =	stream.indirect.gather [hbm4b:s2+s8], $0x80, s16, s8, $0xb8;
	[tilespmem:$0xEF80] =	vst v63  }
0x25: {  	_ =	swait.ge [sflag:s11], $0x6400  }
0x26: {  	[sflag:s11] =	ssyncset.done $0x0  }
0x27: {  	[sflag:s11] =	ssyncadd.s32 $0xFFFF9C00  }
0x28: {  	[hbm4b:s14+s3] =	stream.linear.scatter [tilespmem:s9], [sflag:$0x3], $0x6400, $0x38;
	[tilespmem:$0xEF80] =	vst v63  }
0x29: {  	_ =	swait.ge [sflag:s7], $0x6400  }
0x2a: {  	[sflag:s7] =	ssyncset.done $0x0  }
0x2b: {  	[sflag:s7] =	ssyncadd.s32 $0xFFFF9C00  }
0x2c: {  	_ =	swait.ge [sflag:s12], $0x6400  }
.Ltmp0:
0x2d: {  	[sflag:s12] =	ssyncset.done $0x0;
	(pc) =	sbr.rel @p0 .LBB2_2-.Ltmp0, $4  }
0x2e: {  	s16 =	sadd.s32 $0xC80, s14;
	[sflag:s12] =	ssyncadd.s32 $0xFFFF9C00  }
0x2f: {  	[hbm4b:s16+s3] =	stream.linear.scatter [tilespmem:s10], [sflag:$0x3], $0x6400, $0x38;
	[tilespmem:$0xEF80] =	vst v63  }
0x30: {  	_ =	swait.ge [sflag:s7], $0x6400  }
0x31: {  	s14 =	sadd.s32 $0x1900, s14;
	s16 =	smov.u32 s18;
	[sflag:s7] =	ssyncset.done $0x0  }
0x32: {  	s15 =	sshra.s32 s15, $0x2;
	[sflag:s7] =	ssyncadd.s32 $0xFFFF9C00  }
0x33: {  	[tilespmem:s9], [sflag:$0x1] =	stream.indirect.gather [hbm4b:s2+s8], $0x80, s15, s8, $0xb8;
	[tilespmem:$0xEF80] =	vst v63  }
0x34: {  	s15 =	sadd.s32 $0xC8, s15  }
0x35: {  	[tilespmem:s10], [sflag:$0x2] =	stream.indirect.gather [hbm4b:s2+s8], $0x80, s15, s8, $0xb8;
	[tilespmem:$0xEF80] =	vst v63  }
0x36: {  	_ =	swait.ge [sflag:s11], $0x6400  }
0x37: {  	[sflag:s11] =	ssyncset.done $0x0  }
0x38: {  	[sflag:s11] =	ssyncadd.s32 $0xFFFF9C00  }
0x39: {  	[hbm4b:s14+s3] =	stream.linear.scatter [tilespmem:s9], [sflag:$0x3], $0x6400, $0x38;
	[tilespmem:$0xEF80] =	vst v63  }
0x3a: {  	_ =	swait.ge [sflag:s7], $0x6400  }
0x3b: {  	[sflag:s7] =	ssyncset.done $0x0  }
0x3c: {  	[sflag:s7] =	ssyncadd.s32 $0xFFFF9C00  }
0x3d: {  	s13 =	sadd.s32 $0x1, s13;
	_ =	swait.ge [sflag:s12], $0x6400  }
0x3e: {  	p0 =	sne.s32 s13, s5;
	[sflag:s12] =	ssyncset.done $0x0  }
.Ltmp1:
0x3f: {  	s31 =	sadd.s32 $0xC80, s14;
	[sflag:s12] =	ssyncadd.s32 $0xFFFF9C00;
	(pc) =	sbr.rel @p0 .LBB2_1-.Ltmp1, $4  }
0x40: {  	[hbm4b:s31+s3] =	stream.linear.scatter [tilespmem:s10], [sflag:$0x3], $0x6400, $0x38;
	[tilespmem:$0xEF80] =	vst v63  }
0x41: {  	_ =	swait.ge [sflag:s7], $0x6400  }
0x42: {  	[sflag:s7] =	ssyncset.done $0x0  }
0x43: {  	[sflag:s7] =	ssyncadd.s32 $0xFFFF9C00  }
0x44: {  	_ =	sfence.sel $0x180000  }
0x45: {  	[bflag:$0x0] =	sbarrier.arrive $0xFFFF  }
0x46: {  	p0 =	sne.s32 s0, $0x0;
	_ =	strace $0x90000047  }
0x47: {  	s0 =	sadd.s32 @!p0 $0x100000, s1;
	[bflag:$0x2] =	sbarrier.arrive $0xFFFF  }
0x48: {  	[sflag:s0] =	ssyncadd.tile.s32 @!p0 $0x1;
	_ =	shalt  }
.Lfunc_end2:
_tile_overlayer_lowered:
.L_overlay_start_2:
0x49: {  	(tag) =	ssettag $0x2  }
0x4a: {  	s0 =	rddreg [dreg:$0x0];
	s2 =	stileid.u32  }
0x4b: {  	s1 =	rddreg [dreg:$0x1];
	p0 =	sne.s32 s2, $0x0  }
0x4c: {  	s3 =	rddreg [dreg:$0x2];
	[bflag:$0x3] =	sbarrier.arrive $0xFFFF;
	s2 =	simm.s32 @!p0 $0x1C03  }
0x4d: {  	[timem:s3], [sflag:s2] =	dma.local @!p0 [hbm:s0], s1  }
0x4e: {  	s0 =	simm.s32 @!p0 $0x3  }
0x4f: {  	_ =	swait.ge @!p0 [sflag:s0], s1  }
0x50: {  	s1 =	ssub.s32 @!p0 $0x0, s1;
	[sflag:s0] =	ssyncset.done @!p0 $0x0  }
0x51: {  	[sflag:s0] =	ssyncadd.s32 @!p0 s1  }
0x52: {  	[bflag:$0x3] =	sbarrier.arrive $0xFFFF  }
0x53: {  	_ =	shalt  }

</sc_bundles>
